<compile_context>
chip_gen: v7x
topology: tpu7x:2x2x1
jax: 0.10.2.dev20260603
libtpu: 0.0.44.dev20260713+nightly
codegen_flags: <defaults>
</compile_context>

<pallas_src>
import functools

import jax
import jax.numpy as jnp
from jax import lax
from jax.experimental import pallas as pl
from jax.experimental.pallas import tpu as pltpu
from jax.experimental.pallas import tpu_sc as plsc

_K = 8192
_D = 128
_N = 4608
_BETA = 0.25
_TEMP = 0.1
_NB = 512
_NW = 32
_BPW = _N // _NW


def _vq_body(z_ref, znrm_ref, w_ref, wnrm_ref,
             idx_ref, ent_ref, wn_ref, psum_ref, n_rows, rb):
    r = pl.program_id(0)

    @pl.when(r == 0)
    def _init():
        wn_ref[...] = w_ref[...] / wnrm_ref[...]
        psum_ref[...] = jnp.zeros_like(psum_ref)

    zn = z_ref[...] / znrm_ref[...]
    c = jax.lax.dot_general(zn, wn_ref[...], (((1,), (1,)), ((), ())),
                            preferred_element_type=jnp.float32)
    m = jnp.max(c, axis=1, keepdims=True)
    colidx = jax.lax.broadcasted_iota(jnp.int32, c.shape, 1)
    idx_ref[...] = jnp.min(jnp.where(c == m, colidx, _K),
                           axis=1, keepdims=True)
    e = jnp.exp(c * (1.0 / _TEMP)).astype(jnp.bfloat16)
    ones_k = jnp.ones((_K, 1), jnp.bfloat16)
    s = jax.lax.dot_general(e, ones_k, (((1,), (0,)), ((), ())),
                            preferred_element_type=jnp.float32)
    psum_ref[...] += jax.lax.dot_general(
        (1.0 / s).astype(jnp.bfloat16), e, (((0,), (0,)), ((), ())),
        preferred_element_type=jnp.float32)

    @pl.when(r == rb - 1)
    def _finalize():
        pavg = psum_ref[...] / n_rows + 1e-8
        ent_ref[...] = -jnp.sum(pavg * jnp.log(pavg)).reshape(1, 1)


def _sc_body(w_hbm, idx_hbm, zeros_hbm, ones_hbm, zq_hbm, cnt_hbm,
             idx_v, rows_v, ones_v, cnt_v, cnt_sh, sem):
    cid = lax.axis_index("c")
    sid = lax.axis_index("s")
    wid = cid * 16 + sid
    base = wid * _BPW

    @pl.when(sid == 0)
    def _zero():
        pltpu.sync_copy(zeros_hbm, cnt_v)
        pltpu.sync_copy(cnt_v, cnt_sh)

    plsc.subcore_barrier()
    pltpu.sync_copy(idx_hbm.at[pl.ds(base, _BPW)], idx_v)
    pltpu.async_copy(w_hbm.at[idx_v], rows_v, sem).wait()
    pltpu.sync_copy(rows_v, zq_hbm.at[pl.ds(base, _BPW)])
    pltpu.sync_copy(ones_hbm, ones_v)
    pltpu.sync_copy(ones_v, cnt_sh.at[idx_v], add=True)
    plsc.subcore_barrier()

    @pl.when(sid == 0)
    def _out():
        pltpu.sync_copy(cnt_sh, cnt_v)
        pltpu.sync_copy(cnt_v, cnt_hbm.at[cid])


def _epi_body(z_ref, zq_ref, cnt_ref, com_ref, ppl_ref):
    diff = zq_ref[...] - z_ref[...]
    com_ref[...] = ((1.0 + _BETA) * jnp.sum(diff * diff)
                    / (_N * _D)).reshape(1, 1)
    e_mean = (cnt_ref[0:1, :] + cnt_ref[1:2, :]) / _N
    ppl_ref[...] = jnp.exp(
        -jnp.sum(e_mean * jnp.log(e_mean + 1e-8))).reshape(1, 1)


@jax.jit
def _cos_vq(z_flat, znrm, W, wnrm):
    n = z_flat.shape[0]
    rb = n // _NB
    idx, ent = pl.pallas_call(
        functools.partial(_vq_body, n_rows=n, rb=rb),
        grid=(rb,),
        in_specs=[
            pl.BlockSpec((_NB, _D), lambda r: (r, 0)),
            pl.BlockSpec((_NB, 1), lambda r: (r, 0)),
            pl.BlockSpec((_K, _D), lambda r: (0, 0)),
            pl.BlockSpec((_K, 1), lambda r: (0, 0)),
        ],
        out_specs=[
            pl.BlockSpec((_NB, 1), lambda r: (r, 0)),
            pl.BlockSpec((1, 1), lambda r: (0, 0)),
        ],
        out_shape=[
            jax.ShapeDtypeStruct((n, 1), jnp.int32),
            jax.ShapeDtypeStruct((1, 1), jnp.float32),
        ],
        scratch_shapes=[
            pltpu.VMEM((_K, _D), jnp.float32),
            pltpu.VMEM((1, _K), jnp.float32),
        ],
    )(z_flat, znrm, W, wnrm)

    mesh = plsc.VectorSubcoreMesh(core_axis_name="c", subcore_axis_name="s")
    zq, cnt2 = functools.partial(
        pl.kernel, mesh=mesh,
        out_type=[
            jax.ShapeDtypeStruct((n, _D), jnp.float32),
            jax.ShapeDtypeStruct((2, _K), jnp.float32),
        ],
        scratch_types=[
            pltpu.VMEM((_BPW,), jnp.int32),
            pltpu.VMEM((_BPW, _D), jnp.float32),
            pltpu.VMEM((_BPW,), jnp.float32),
            pltpu.VMEM((_K,), jnp.float32),
            pltpu.VMEM_SHARED((_K,), jnp.float32),
            pltpu.SemaphoreType.DMA,
        ],
    )(_sc_body)(W, idx.reshape(-1),
                jnp.zeros((_K,), jnp.float32),
                jnp.ones((_BPW,), jnp.float32))

    com, ppl = pl.pallas_call(
        _epi_body,
        grid=(1,),
        in_specs=[
            pl.BlockSpec((n, _D), lambda r: (0, 0)),
            pl.BlockSpec((n, _D), lambda r: (0, 0)),
            pl.BlockSpec((2, _K), lambda r: (0, 0)),
        ],
        out_specs=[
            pl.BlockSpec((1, 1), lambda r: (0, 0)),
            pl.BlockSpec((1, 1), lambda r: (0, 0)),
        ],
        out_shape=[
            jax.ShapeDtypeStruct((1, 1), jnp.float32),
            jax.ShapeDtypeStruct((1, 1), jnp.float32),
        ],
    )(z_flat, zq, cnt2)

    return zq, com[0, 0], ppl[0, 0], ent[0, 0]


def kernel(z, W):
    z_flat = z.reshape(-1, _D)
    znrm = jnp.maximum(jnp.linalg.norm(z_flat, axis=1, keepdims=True), 1e-12)
    wnrm = jnp.maximum(jnp.linalg.norm(W, axis=1, keepdims=True), 1e-12)
    zq, com, ppl, ent = _cos_vq(z_flat, znrm, W, wnrm)
    return zq.reshape(z.shape), com, ppl, ent

# --- scband reference (transcript-rebuilt; emitter-appended) ---
"""Pipeline reference for scband-cos-vq-1657857376703 (READ-ONLY COPY).

The authoritative reference and input builder live on the scoring server;
editing this copy changes nothing except your own understanding.
"""

import jax, jax.numpy as jnp
import numpy as np

K = 8192
D = 128
BETA = 0.25
TEMP = 0.1


def setup_inputs(seed: int = 0) -> dict:
    key = jax.random.key(seed)
    k1, k2 = jax.random.split(key)
    z = jax.random.normal(k1, (8, 576, D), dtype=jnp.float32)
    W = jax.random.uniform(k2, (K, D), minval=-1.0 / D, maxval=1.0 / D, dtype=jnp.float32)
    return {"z": z, "W": W}


def _normalize(x):
    n = jnp.linalg.norm(x, axis=1, keepdims=True)
    return x / jnp.maximum(n, 1e-12)


def reference(z, W):
    original_shape = z.shape
    z_flat = z.reshape(-1, D)
    z_norm = _normalize(z_flat)
    emb_norm = _normalize(W)
    cos_sim_scores = jnp.matmul(z_norm, emb_norm.T)
    min_encoding_indices = jnp.argmax(cos_sim_scores, axis=1)
    z_q = jnp.take(W, min_encoding_indices, axis=0).reshape(original_shape)
    codebook_counts = jnp.bincount(min_encoding_indices, minlength=K, length=K)
    e_mean = codebook_counts.astype(jnp.float32) / min_encoding_indices.size
    perplexity = jnp.exp(-jnp.sum(e_mean * jnp.log(e_mean + 1e-08)))
    sg = jax.lax.stop_gradient
    commit_loss = jnp.mean((sg(z_q) - z) ** 2) + BETA * jnp.mean((z_q - sg(z)) ** 2)
    z_q_st = z + sg(z_q - z)
    p_logits = cos_sim_scores / TEMP
    log_probs = jax.nn.log_softmax(p_logits, axis=1)
    probs = jnp.exp(log_probs)
    P_avg = jnp.mean(probs, axis=0) + 1e-08
    entropy_loss = -jnp.sum(P_avg * jnp.log(P_avg))
    return (z_q_st, commit_loss, perplexity, entropy_loss)

if __name__ == "__main__":
    import jax
    _d = setup_inputs()
    print(jax.jit(kernel)(*tuple(_d.values())))

</pallas_src>

<mosaic_0001>
#map = affine_map<(d0, d1) -> (0, 0)>
#map1 = affine_map<(d0, d1) -> (0)>
module attributes {stable_mosaic.version = 14 : i64} {
  func.func @_sc_body(%arg0: i32, %arg1: i32, %arg2: memref<8192x128xf32, #tpu.memory_space<hbm>>, %arg3: memref<4608xi32, #tpu.memory_space<hbm>>, %arg4: memref<8192xf32, #tpu.memory_space<hbm>>, %arg5: memref<144xf32, #tpu.memory_space<hbm>>, %arg6: memref<4608x128xf32, #tpu.memory_space<hbm>>, %arg7: memref<2x8192xf32, #tpu.memory_space<hbm>>, %arg8: memref<144xi32, #tpu.memory_space<vmem>>, %arg9: memref<144x128xf32, #tpu.memory_space<vmem>>, %arg10: memref<144xf32, #tpu.memory_space<vmem>>, %arg11: memref<8192xf32, #tpu.memory_space<vmem>>, %arg12: memref<8192xf32, #tpu.memory_space<vmem_shared>>, %arg13: memref<!tpu.dma_semaphore, #tpu.memory_space<semaphore_mem>>) attributes {dimension_semantics = [#tpu.dimension_semantics<core_parallel>, #tpu.dimension_semantics<subcore_parallel>], iteration_bounds = array<i64: 2, 16>, scalar_prefetch = 0 : i64, scratch_operands = 6 : i64, tpu.core_type = #tpu.core_type<sc_vector_subcore>, window_params = [{transform_indices = #map}, {transform_indices = #map1}, {transform_indices = #map1}, {transform_indices = #map1}, {transform_indices = #map}, {transform_indices = #map}]} {
    %mul3A = arith.constant 16 : i32
    %mul3A_0 = arith.muli %arg0, %mul3A : i32
    %add3A = arith.addi %mul3A_0, %arg1 : i32
    %mul3A_1 = arith.constant 144 : i32
    %mul3A_2 = arith.muli %add3A, %mul3A_1 : i32
    %eq3A = arith.constant 0 : i32
    %eq3A_3 = arith.cmpi eq, %arg1, %eq3A : i32
    %convert_element_type3A = arith.extui %eq3A_3 : i1 to i32
    %cond3A = arith.constant 0 : i32
    %cond3A_4 = arith.cmpi ne, %convert_element_type3A, %cond3A : i32
    scf.if %cond3A_4 {
      "tpu.region"() ({
        %run_scoped3A = tpu.sem_alloc : memref<!tpu.dma_semaphore, #tpu.memory_space<semaphore_mem>>
        tpu.enqueue_dma source(%arg4 : memref<8192xf32, #tpu.memory_space<hbm>>) target(%arg11 : memref<8192xf32, #tpu.memory_space<vmem>>) target_semaphore(%run_scoped3A : memref<!tpu.dma_semaphore, #tpu.memory_space<semaphore_mem>>)
        tpu.wait_dma2 semaphore(%run_scoped3A : memref<!tpu.dma_semaphore, #tpu.memory_space<semaphore_mem>>) src(%arg4 : memref<8192xf32, #tpu.memory_space<hbm>>) dst(%arg11 : memref<8192xf32, #tpu.memory_space<vmem>>)
        tpu.yield
      }) : () -> ()
      "tpu.region"() ({
        %run_scoped3A = tpu.sem_alloc : memref<!tpu.dma_semaphore, #tpu.memory_space<semaphore_mem>>
        tpu.enqueue_dma source(%arg11 : memref<8192xf32, #tpu.memory_space<vmem>>) target(%arg12 : memref<8192xf32, #tpu.memory_space<vmem_shared>>) target_semaphore(%run_scoped3A : memref<!tpu.dma_semaphore, #tpu.memory_space<semaphore_mem>>)
        tpu.wait_dma2 semaphore(%run_scoped3A : memref<!tpu.dma_semaphore, #tpu.memory_space<semaphore_mem>>) src(%arg11 : memref<8192xf32, #tpu.memory_space<vmem>>) dst(%arg12 : memref<8192xf32, #tpu.memory_space<vmem_shared>>)
        tpu.yield
      }) : () -> ()
    } else {
    }
    %barrier3A = arith.constant 0 : index
    tpu.barrier barrier_id(%barrier3A)
    "tpu.region"() ({
      %run_scoped3A = tpu.sem_alloc : memref<!tpu.dma_semaphore, #tpu.memory_space<semaphore_mem>>
      %dma_start3A_15 = tpu.memref_slice %arg3[%mul3A_2] : memref<4608xi32, #tpu.memory_space<hbm>> -> memref<144xi32, #tpu.memory_space<hbm>>
      %dma_start3A_16 = tpu.memref_slice %arg3[%mul3A_2] : memref<4608xi32, #tpu.memory_space<hbm>> -> memref<144xi32, #tpu.memory_space<hbm>>
      tpu.enqueue_dma source(%dma_start3A_16 : memref<144xi32, #tpu.memory_space<hbm>>) target(%arg8 : memref<144xi32, #tpu.memory_space<vmem>>) target_semaphore(%run_scoped3A : memref<!tpu.dma_semaphore, #tpu.memory_space<semaphore_mem>>)
      %dma_wait3A_17 = tpu.memref_slice %arg3[%mul3A_2] : memref<4608xi32, #tpu.memory_space<hbm>> -> memref<144xi32, #tpu.memory_space<hbm>>
      %dma_wait3A_18 = tpu.memref_slice %arg3[%mul3A_2] : memref<4608xi32, #tpu.memory_space<hbm>> -> memref<144xi32, #tpu.memory_space<hbm>>
      tpu.wait_dma2 semaphore(%run_scoped3A : memref<!tpu.dma_semaphore, #tpu.memory_space<semaphore_mem>>) src(%dma_wait3A_18 : memref<144xi32, #tpu.memory_space<hbm>>) dst(%arg8 : memref<144xi32, #tpu.memory_space<vmem>>)
      tpu.yield
    }) : () -> ()
    %dma_start3A = arith.constant 0 : i32
    %dma_start3A_5 = arith.constant 0 : i32
    %dma_start3A_6 = tpu.memref_slice %arg2[%dma_start3A, %dma_start3A_5] : memref<8192x128xf32, #tpu.memory_space<hbm>> -> memref<8192x128xf32, #tpu.memory_space<hbm>>
    tpu.enqueue_indirect_dma source(%dma_start3A_6 : memref<8192x128xf32, #tpu.memory_space<hbm>>) target(%arg9 : memref<144x128xf32, #tpu.memory_space<vmem>>) offsets(%arg8 : memref<144xi32, #tpu.memory_space<vmem>>) semaphore(%arg13 : memref<!tpu.dma_semaphore, #tpu.memory_space<semaphore_mem>>)
    %dma_wait3A = arith.constant 0 : i32
    %dma_wait3A_7 = arith.constant 0 : i32
    %dma_wait3A_8 = tpu.memref_slice %arg2[%dma_wait3A, %dma_wait3A_7] : memref<8192x128xf32, #tpu.memory_space<hbm>> -> memref<8192x128xf32, #tpu.memory_space<hbm>>
    tpu.wait_indirect_dma semaphore(%arg13 : memref<!tpu.dma_semaphore, #tpu.memory_space<semaphore_mem>>) src(%dma_wait3A_8 : memref<8192x128xf32, #tpu.memory_space<hbm>>) dst(%arg9 : memref<144x128xf32, #tpu.memory_space<vmem>>)
    "tpu.region"() ({
      %run_scoped3A = tpu.sem_alloc : memref<!tpu.dma_semaphore, #tpu.memory_space<semaphore_mem>>
      %dma_start3A_15 = arith.constant 0 : i32
      %dma_start3A_16 = tpu.memref_slice %arg6[%mul3A_2, %dma_start3A_15] : memref<4608x128xf32, #tpu.memory_space<hbm>> -> memref<144x128xf32, #tpu.memory_space<hbm>>
      %dma_start3A_17 = arith.constant 0 : i32
      %dma_start3A_18 = tpu.memref_slice %arg6[%mul3A_2, %dma_start3A_17] : memref<4608x128xf32, #tpu.memory_space<hbm>> -> memref<144x128xf32, #tpu.memory_space<hbm>>
      tpu.enqueue_dma source(%arg9 : memref<144x128xf32, #tpu.memory_space<vmem>>) target(%dma_start3A_18 : memref<144x128xf32, #tpu.memory_space<hbm>>) target_semaphore(%run_scoped3A : memref<!tpu.dma_semaphore, #tpu.memory_space<semaphore_mem>>)
      %dma_wait3A_19 = arith.constant 0 : i32
      %dma_wait3A_20 = tpu.memref_slice %arg6[%mul3A_2, %dma_wait3A_19] : memref<4608x128xf32, #tpu.memory_space<hbm>> -> memref<144x128xf32, #tpu.memory_space<hbm>>
      %dma_wait3A_21 = arith.constant 0 : i32
      %dma_wait3A_22 = tpu.memref_slice %arg6[%mul3A_2, %dma_wait3A_21] : memref<4608x128xf32, #tpu.memory_space<hbm>> -> memref<144x128xf32, #tpu.memory_space<hbm>>
      tpu.wait_dma2 semaphore(%run_scoped3A : memref<!tpu.dma_semaphore, #tpu.memory_space<semaphore_mem>>) src(%arg9 : memref<144x128xf32, #tpu.memory_space<vmem>>) dst(%dma_wait3A_22 : memref<144x128xf32, #tpu.memory_space<hbm>>)
      tpu.yield
    }) : () -> ()
    "tpu.region"() ({
      %run_scoped3A = tpu.sem_alloc : memref<!tpu.dma_semaphore, #tpu.memory_space<semaphore_mem>>
      tpu.enqueue_dma source(%arg5 : memref<144xf32, #tpu.memory_space<hbm>>) target(%arg10 : memref<144xf32, #tpu.memory_space<vmem>>) target_semaphore(%run_scoped3A : memref<!tpu.dma_semaphore, #tpu.memory_space<semaphore_mem>>)
      tpu.wait_dma2 semaphore(%run_scoped3A : memref<!tpu.dma_semaphore, #tpu.memory_space<semaphore_mem>>) src(%arg5 : memref<144xf32, #tpu.memory_space<hbm>>) dst(%arg10 : memref<144xf32, #tpu.memory_space<vmem>>)
      tpu.yield
    }) : () -> ()
    "tpu.region"() ({
      %run_scoped3A = tpu.sem_alloc : memref<!tpu.dma_semaphore, #tpu.memory_space<semaphore_mem>>
      %dma_start3A_15 = arith.constant 0 : i32
      %dma_start3A_16 = tpu.memref_slice %arg12[%dma_start3A_15] : memref<8192xf32, #tpu.memory_space<vmem_shared>> -> memref<8192xf32, #tpu.memory_space<vmem_shared>>
      tpu.enqueue_indirect_dma source(%arg10 : memref<144xf32, #tpu.memory_space<vmem>>) target(%dma_start3A_16 : memref<8192xf32, #tpu.memory_space<vmem_shared>>) offsets(%arg8 : memref<144xi32, #tpu.memory_space<vmem>>) semaphore(%run_scoped3A : memref<!tpu.dma_semaphore, #tpu.memory_space<semaphore_mem>>) {add = true}
      %dma_wait3A_17 = arith.constant 0 : i32
      %dma_wait3A_18 = tpu.memref_slice %arg12[%dma_wait3A_17] : memref<8192xf32, #tpu.memory_space<vmem_shared>> -> memref<8192xf32, #tpu.memory_space<vmem_shared>>
      tpu.wait_indirect_dma semaphore(%run_scoped3A : memref<!tpu.dma_semaphore, #tpu.memory_space<semaphore_mem>>) src(%arg10 : memref<144xf32, #tpu.memory_space<vmem>>) dst(%dma_wait3A_18 : memref<8192xf32, #tpu.memory_space<vmem_shared>>)
      tpu.yield
    }) : () -> ()
    %barrier3A_9 = arith.constant 0 : index
    tpu.barrier barrier_id(%barrier3A_9)
    %eq3A_10 = arith.constant 0 : i32
    %eq3A_11 = arith.cmpi eq, %arg1, %eq3A_10 : i32
    %convert_element_type3A_12 = arith.extui %eq3A_11 : i1 to i32
    %cond3A_13 = arith.constant 0 : i32
    %cond3A_14 = arith.cmpi ne, %convert_element_type3A_12, %cond3A_13 : i32
    scf.if %cond3A_14 {
      "tpu.region"() ({
        %run_scoped3A = tpu.sem_alloc : memref<!tpu.dma_semaphore, #tpu.memory_space<semaphore_mem>>
        tpu.enqueue_dma source(%arg12 : memref<8192xf32, #tpu.memory_space<vmem_shared>>) target(%arg11 : memref<8192xf32, #tpu.memory_space<vmem>>) target_semaphore(%run_scoped3A : memref<!tpu.dma_semaphore, #tpu.memory_space<semaphore_mem>>)
        tpu.wait_dma2 semaphore(%run_scoped3A : memref<!tpu.dma_semaphore, #tpu.memory_space<semaphore_mem>>) src(%arg12 : memref<8192xf32, #tpu.memory_space<vmem_shared>>) dst(%arg11 : memref<8192xf32, #tpu.memory_space<vmem>>)
        tpu.yield
      }) : () -> ()
      "tpu.region"() ({
        %run_scoped3A = tpu.sem_alloc : memref<!tpu.dma_semaphore, #tpu.memory_space<semaphore_mem>>
        %dma_start3A_15 = arith.constant 0 : i32
        %dma_start3A_16 = tpu.memref_slice %arg7[%arg0, %dma_start3A_15] : memref<2x8192xf32, #tpu.memory_space<hbm>> -> memref<1x8192xf32, #tpu.memory_space<hbm>>
        %dma_start3A_17 = tpu.memref_squeeze %dma_start3A_16 : memref<1x8192xf32, #tpu.memory_space<hbm>> -> memref<8192xf32, #tpu.memory_space<hbm>>
        %dma_start3A_18 = arith.constant 0 : i32
        %dma_start3A_19 = tpu.memref_slice %arg7[%arg0, %dma_start3A_18] : memref<2x8192xf32, #tpu.memory_space<hbm>> -> memref<1x8192xf32, #tpu.memory_space<hbm>>
        %dma_start3A_20 = tpu.memref_squeeze %dma_start3A_19 : memref<1x8192xf32, #tpu.memory_space<hbm>> -> memref<8192xf32, #tpu.memory_space<hbm>>
        tpu.enqueue_dma source(%arg11 : memref<8192xf32, #tpu.memory_space<vmem>>) target(%dma_start3A_20 : memref<8192xf32, #tpu.memory_space<hbm>>) target_semaphore(%run_scoped3A : memref<!tpu.dma_semaphore, #tpu.memory_space<semaphore_mem>>)
        %dma_wait3A_21 = arith.constant 0 : i32
        %dma_wait3A_22 = tpu.memref_slice %arg7[%arg0, %dma_wait3A_21] : memref<2x8192xf32, #tpu.memory_space<hbm>> -> memref<1x8192xf32, #tpu.memory_space<hbm>>
        %dma_wait3A_23 = tpu.memref_squeeze %dma_wait3A_22 : memref<1x8192xf32, #tpu.memory_space<hbm>> -> memref<8192xf32, #tpu.memory_space<hbm>>
        %dma_wait3A_24 = arith.constant 0 : i32
        %dma_wait3A_25 = tpu.memref_slice %arg7[%arg0, %dma_wait3A_24] : memref<2x8192xf32, #tpu.memory_space<hbm>> -> memref<1x8192xf32, #tpu.memory_space<hbm>>
        %dma_wait3A_26 = tpu.memref_squeeze %dma_wait3A_25 : memref<1x8192xf32, #tpu.memory_space<hbm>> -> memref<8192xf32, #tpu.memory_space<hbm>>
        tpu.wait_dma2 semaphore(%run_scoped3A : memref<!tpu.dma_semaphore, #tpu.memory_space<semaphore_mem>>) src(%arg11 : memref<8192xf32, #tpu.memory_space<vmem>>) dst(%dma_wait3A_26 : memref<8192xf32, #tpu.memory_space<hbm>>)
        tpu.yield
      }) : () -> ()
    } else {
    }
    return
  }
}

module attributes {stable_mosaic.version = 14 : i64} {
  func.func @_vq_body(%arg0: i32, %arg1: memref<512x128xf32, #tpu.memory_space<vmem>>, %arg2: memref<512x1xf32, #tpu.memory_space<vmem>>, %arg3: memref<8192x128xf32, #tpu.memory_space<vmem>>, %arg4: memref<8192x1xf32, #tpu.memory_space<vmem>>, %arg5: memref<512x1xi32, #tpu.memory_space<vmem>>, %arg6: memref<1x1xf32, #tpu.memory_space<vmem>>, %arg7: memref<8192x128xf32, #tpu.memory_space<vmem>>, %arg8: memref<1x8192xf32, #tpu.memory_space<vmem>>) attributes {dimension_semantics = [#tpu.dimension_semantics<arbitrary>], iteration_bounds = array<i64: 9>, scalar_prefetch = 0 : i64, scratch_operands = 2 : i64, tpu.core_type = #tpu.core_type<tc>, window_params = [{transform_indices = @transform_0, window_bounds = array<i64: 512, 128>}, {transform_indices = @transform_1, window_bounds = array<i64: 512, 1>}, {pipeline_mode = #tpu.pipeline_mode<synchronous>, transform_indices = @transform_2, window_bounds = array<i64: 8192, 128>}, {pipeline_mode = #tpu.pipeline_mode<synchronous>, transform_indices = @transform_3, window_bounds = array<i64: 8192, 1>}, {transform_indices = @transform_4, window_bounds = array<i64: 512, 1>}, {pipeline_mode = #tpu.pipeline_mode<synchronous>, transform_indices = @transform_5, window_bounds = array<i64: 1, 1>}]} {
    %eq3A = arith.constant 0 : i32
    %eq3A_0 = arith.cmpi eq, %arg0, %eq3A : i32
    %convert_element_type3A = arith.extui %eq3A_0 : i1 to i32
    %cond3A = arith.constant 0 : i32
    %cond3A_1 = arith.cmpi ne, %convert_element_type3A, %cond3A : i32
    scf.if %cond3A_1 {
      %get3A_44 = arith.constant 0 : index
      %get3A_45 = arith.constant 0 : index
      %get3A_46 = vector.load %arg3[%get3A_44, %get3A_45] : memref<8192x128xf32, #tpu.memory_space<vmem>>, vector<8192x128xf32>
      %get3A_47 = arith.constant 0 : index
      %get3A_48 = arith.constant 0 : index
      %get3A_49 = vector.load %arg4[%get3A_47, %get3A_48] : memref<8192x1xf32, #tpu.memory_space<vmem>>, vector<8192x1xf32>
      %div3A_50 = vector.broadcast %get3A_49 : vector<8192x1xf32> to vector<8192x128xf32>
      %div3A_51 = arith.divf %get3A_46, %div3A_50 : vector<8192x128xf32>
      %swap3A_52 = arith.constant 0 : index
      %swap3A_53 = arith.constant 0 : index
      %swap3A_54 = vector.load %arg7[%swap3A_52, %swap3A_53] : memref<8192x128xf32, #tpu.memory_space<vmem>>, vector<8192x128xf32>
      tpu.vector_store %arg7[%swap3A_52, %swap3A_53], %div3A_51 {strides = array<i32>} : memref<8192x128xf32, #tpu.memory_space<vmem>>, vector<8192x128xf32>,
      %broadcast_in_dim3A_55 = arith.constant 0.000000e+00 : f32
      %broadcast_in_dim3A_56 = vector.broadcast %broadcast_in_dim3A_55 : f32 to vector<1x8192xf32>
      %swap3A_57 = arith.constant 0 : index
      %swap3A_58 = arith.constant 0 : index
      %swap3A_59 = vector.load %arg8[%swap3A_57, %swap3A_58] : memref<1x8192xf32, #tpu.memory_space<vmem>>, vector<1x8192xf32>
      tpu.vector_store %arg8[%swap3A_57, %swap3A_58], %broadcast_in_dim3A_56 {strides = array<i32>} : memref<1x8192xf32, #tpu.memory_space<vmem>>, vector<1x8192xf32>,
    } else {
    }
    %get3A = arith.constant 0 : index
    %get3A_2 = arith.constant 0 : index
    %get3A_3 = vector.load %arg1[%get3A, %get3A_2] : memref<512x128xf32, #tpu.memory_space<vmem>>, vector<512x128xf32>
    %get3A_4 = arith.constant 0 : index
    %get3A_5 = arith.constant 0 : index
    %get3A_6 = vector.load %arg2[%get3A_4, %get3A_5] : memref<512x1xf32, #tpu.memory_space<vmem>>, vector<512x1xf32>
    %div3A = vector.broadcast %get3A_6 : vector<512x1xf32> to vector<512x128xf32>
    %div3A_7 = arith.divf %get3A_3, %div3A : vector<512x128xf32>
    %get3A_8 = arith.constant 0 : index
    %get3A_9 = arith.constant 0 : index
    %get3A_10 = vector.load %arg7[%get3A_8, %get3A_9] : memref<8192x128xf32, #tpu.memory_space<vmem>>, vector<8192x128xf32>
    %dot_general3A = arith.constant dense<0.000000e+00> : vector<512x8192xf32>
    %dot_general3A_11 = tpu.matmul %div3A_7, %get3A_10, %dot_general3A {dimension_numbers = #tpu.dot_dimension_numbers<[1], [1], [0], [0], [0, 0, 1, 0], [], []>, transpose_lhs_hint = false} : vector<512x128xf32>, vector<8192x128xf32>, vector<512x8192xf32> -> vector<512x8192xf32>
    %reduce_max3A = arith.constant dense<0xFF800000> : vector<512xf32>
    %reduce_max3A_12 = vector.multi_reduction <maximumf>, %dot_general3A_11, %reduce_max3A [1] : vector<512x8192xf32> to vector<512xf32>
    %broadcast_in_dim3A = vector.shape_cast %reduce_max3A_12 : vector<512xf32> to vector<512x1xf32>
    %iota3A = tpu.iota {dimensions = array<i32: 1>} : vector<512x8192xi32>
    %eq3A_13 = vector.broadcast %broadcast_in_dim3A : vector<512x1xf32> to vector<512x8192xf32>
    %eq3A_14 = arith.cmpf oeq, %dot_general3A_11, %eq3A_13 : vector<512x8192xf32>
    %jit3A = arith.constant 8192 : i32
    %broadcast_in_dim3A_15 = vector.broadcast %jit3A : i32 to vector<512x8192xi32>
    %select_n3A = arith.select %eq3A_14, %iota3A, %broadcast_in_dim3A_15 : vector<512x8192xi1>, vector<512x8192xi32>
    %reduce_min3A = arith.constant dense<2147483647> : vector<512xi32>
    %reduce_min3A_16 = vector.multi_reduction <minsi>, %select_n3A, %reduce_min3A [1] : vector<512x8192xi32> to vector<512xi32>
    %broadcast_in_dim3A_17 = vector.shape_cast %reduce_min3A_16 : vector<512xi32> to vector<512x1xi32>
    %swap3A = arith.constant 0 : index
    %swap3A_18 = arith.constant 0 : index
    %swap3A_19 = vector.load %arg5[%swap3A, %swap3A_18] : memref<512x1xi32, #tpu.memory_space<vmem>>, vector<512x1xi32>
    tpu.vector_store %arg5[%swap3A, %swap3A_18], %broadcast_in_dim3A_17 {strides = array<i32>} : memref<512x1xi32, #tpu.memory_space<vmem>>, vector<512x1xi32>,
    %mul3A = arith.constant 1.000000e+01 : f32
    %mul3A_20 = vector.broadcast %mul3A : f32 to vector<512x8192xf32>
    %mul3A_21 = arith.mulf %dot_general3A_11, %mul3A_20 : vector<512x8192xf32>
    %exp3A = math.exp %mul3A_21 : vector<512x8192xf32>
    %convert_element_type3A_22 = arith.truncf %exp3A : vector<512x8192xf32> to vector<512x8192xbf16>
    %broadcast_in_dim3A_23 = arith.constant 1.000000e+00 : bf16
    %broadcast_in_dim3A_24 = vector.broadcast %broadcast_in_dim3A_23 : bf16 to vector<8192x1xbf16>
    %dot_general3A_25 = arith.constant dense<0.000000e+00> : vector<512x1xf32>
    %dot_general3A_26 = tpu.matmul %convert_element_type3A_22, %broadcast_in_dim3A_24, %dot_general3A_25 {dimension_numbers = #tpu.dot_dimension_numbers<[1], [0], [0], [1], [0, 0, 1, 1], [], []>, transpose_lhs_hint = false} : vector<512x8192xbf16>, vector<8192x1xbf16>, vector<512x1xf32> -> vector<512x1xf32>
    %get3A_27 = arith.constant 0 : index
    %get3A_28 = arith.constant 0 : index
    %get3A_29 = vector.load %arg8[%get3A_27, %get3A_28] : memref<1x8192xf32, #tpu.memory_space<vmem>>, vector<1x8192xf32>
    %div3A_30 = arith.constant 1.000000e+00 : f32
    %div3A_31 = vector.broadcast %div3A_30 : f32 to vector<512x1xf32>
    %div3A_32 = arith.divf %div3A_31, %dot_general3A_26 : vector<512x1xf32>
    %convert_element_type3A_33 = arith.truncf %div3A_32 : vector<512x1xf32> to vector<512x1xbf16>
    %dot_general3A_34 = arith.constant dense<0.000000e+00> : vector<1x8192xf32>
    %dot_general3A_35 = tpu.matmul %convert_element_type3A_33, %convert_element_type3A_22, %dot_general3A_34 {dimension_numbers = #tpu.dot_dimension_numbers<[0], [0], [1], [1], [0, 1, 1, 1], [], []>, transpose_lhs_hint = false} : vector<512x1xbf16>, vector<512x8192xbf16>, vector<1x8192xf32> -> vector<1x8192xf32>
    %add3A = arith.addf %get3A_29, %dot_general3A_35 : vector<1x8192xf32>
    %swap3A_36 = arith.constant 0 : index
    %swap3A_37 = arith.constant 0 : index
    %swap3A_38 = vector.load %arg8[%swap3A_36, %swap3A_37] : memref<1x8192xf32, #tpu.memory_space<vmem>>, vector<1x8192xf32>
    tpu.vector_store %arg8[%swap3A_36, %swap3A_37], %add3A {strides = array<i32>} : memref<1x8192xf32, #tpu.memory_space<vmem>>, vector<1x8192xf32>,
    %eq3A_39 = arith.constant 8 : i32
    %eq3A_40 = arith.cmpi eq, %arg0, %eq3A_39 : i32
    %convert_element_type3A_41 = arith.extui %eq3A_40 : i1 to i32
    %cond3A_42 = arith.constant 0 : i32
    %cond3A_43 = arith.cmpi ne, %convert_element_type3A_41, %cond3A_42 : i32
    scf.if %cond3A_43 {
      %get3A_44 = arith.constant 0 : index
      %get3A_45 = arith.constant 0 : index
      %get3A_46 = vector.load %arg8[%get3A_44, %get3A_45] : memref<1x8192xf32, #tpu.memory_space<vmem>>, vector<1x8192xf32>
      %div3A_47 = arith.constant 4.608000e+03 : f32
      %div3A_48 = vector.broadcast %div3A_47 : f32 to vector<1x8192xf32>
      %div3A_49 = arith.divf %get3A_46, %div3A_48 : vector<1x8192xf32>
      %add3A_50 = arith.constant 9.99999993E-9 : f32
      %add3A_51 = vector.broadcast %add3A_50 : f32 to vector<1x8192xf32>
      %add3A_52 = arith.addf %div3A_49, %add3A_51 : vector<1x8192xf32>
      %log3A = math.log %add3A_52 : vector<1x8192xf32>
      %mul3A_53 = arith.mulf %add3A_52, %log3A : vector<1x8192xf32>
      %reduce_sum3A = vector.shape_cast %mul3A_53 : vector<1x8192xf32> to vector<1x1x8192xf32>
      %reduce_sum3A_54 = arith.constant dense<0.000000e+00> : vector<1xf32>
      %reduce_sum3A_55 = vector.multi_reduction <add>, %reduce_sum3A, %reduce_sum3A_54 [1, 2] : vector<1x1x8192xf32> to vector<1xf32>
      %reduce_sum3A_56 = vector.shape_cast %reduce_sum3A_55 : vector<1xf32> to vector<1x1x1xf32>
      %reduce_sum3A_57 = vector.extract %reduce_sum3A_56[0, 0, 0] : f32 from vector<1x1x1xf32>
      %reshape3A = vector.broadcast %reduce_sum3A_57 : f32 to vector<1x1xf32>
      %neg3A = arith.constant 0.000000e+00 : f32
      %neg3A_58 = vector.broadcast %neg3A : f32 to vector<1x1xf32>
      %neg3A_59 = arith.subf %neg3A_58, %reshape3A : vector<1x1xf32>
      %swap3A_60 = arith.constant 0 : index
      %swap3A_61 = arith.constant 0 : index
      %swap3A_62 = vector.load %arg6[%swap3A_60, %swap3A_61] : memref<1x1xf32, #tpu.memory_space<vmem>>, vector<1x1xf32>
      tpu.vector_store %arg6[%swap3A_60, %swap3A_61], %neg3A_59 {strides = array<i32>} : memref<1x1xf32, #tpu.memory_space<vmem>>, vector<1x1xf32>,
    } else {
    }
    return
  }
  func.func @transform_0(%arg0: i32) -> (i32, i32) {
    %c0_i32 = arith.constant 0 : i32
    %c0_i32_0 = arith.constant 0 : i32
    return %arg0, %c0_i32 : i32, i32
  }
  func.func @transform_1(%arg0: i32) -> (i32, i32) {
    %c0_i32 = arith.constant 0 : i32
    %c0_i32_0 = arith.constant 0 : i32
    return %arg0, %c0_i32 : i32, i32
  }
  func.func @transform_2(%arg0: i32) -> (i32, i32) {
    %c0_i32 = arith.constant 0 : i32
    %c0_i32_0 = arith.constant 0 : i32
    %c0_i32_1 = arith.constant 0 : i32
    return %c0_i32, %c0_i32_0 : i32, i32
  }
  func.func @transform_3(%arg0: i32) -> (i32, i32) {
    %c0_i32 = arith.constant 0 : i32
    %c0_i32_0 = arith.constant 0 : i32
    %c0_i32_1 = arith.constant 0 : i32
    return %c0_i32, %c0_i32_0 : i32, i32
  }
  func.func @transform_4(%arg0: i32) -> (i32, i32) {
    %c0_i32 = arith.constant 0 : i32
    %c0_i32_0 = arith.constant 0 : i32
    return %arg0, %c0_i32 : i32, i32
  }
  func.func @transform_5(%arg0: i32) -> (i32, i32) {
    %c0_i32 = arith.constant 0 : i32
    %c0_i32_0 = arith.constant 0 : i32
    %c0_i32_1 = arith.constant 0 : i32
    return %c0_i32, %c0_i32_0 : i32, i32
  }
}

module attributes {stable_mosaic.version = 14 : i64} {
  func.func @_epi_body(%arg0: i32, %arg1: memref<4608x128xf32, #tpu.memory_space<vmem>>, %arg2: memref<4608x128xf32, #tpu.memory_space<vmem>>, %arg3: memref<2x8192xf32, #tpu.memory_space<vmem>>, %arg4: memref<1x1xf32, #tpu.memory_space<vmem>>, %arg5: memref<1x1xf32, #tpu.memory_space<vmem>>) attributes {dimension_semantics = [#tpu.dimension_semantics<arbitrary>], iteration_bounds = array<i64: 1>, scalar_prefetch = 0 : i64, scratch_operands = 0 : i64, tpu.core_type = #tpu.core_type<tc>, window_params = [{pipeline_mode = #tpu.pipeline_mode<synchronous>, transform_indices = @transform_0, window_bounds = array<i64: 4608, 128>}, {pipeline_mode = #tpu.pipeline_mode<synchronous>, transform_indices = @transform_1, window_bounds = array<i64: 4608, 128>}, {pipeline_mode = #tpu.pipeline_mode<synchronous>, transform_indices = @transform_2, window_bounds = array<i64: 2, 8192>}, {pipeline_mode = #tpu.pipeline_mode<synchronous>, transform_indices = @transform_3, window_bounds = array<i64: 1, 1>}, {pipeline_mode = #tpu.pipeline_mode<synchronous>, transform_indices = @transform_4, window_bounds = array<i64: 1, 1>}]} {
    %get3A = arith.constant 0 : index
    %get3A_0 = arith.constant 0 : index
    %get3A_1 = vector.load %arg2[%get3A, %get3A_0] : memref<4608x128xf32, #tpu.memory_space<vmem>>, vector<4608x128xf32>
    %get3A_2 = arith.constant 0 : index
    %get3A_3 = arith.constant 0 : index
    %get3A_4 = vector.load %arg1[%get3A_2, %get3A_3] : memref<4608x128xf32, #tpu.memory_space<vmem>>, vector<4608x128xf32>
    %sub3A = arith.subf %get3A_1, %get3A_4 : vector<4608x128xf32>
    %mul3A = arith.mulf %sub3A, %sub3A : vector<4608x128xf32>
    %reduce_sum3A = vector.shape_cast %mul3A : vector<4608x128xf32> to vector<1x4608x128xf32>
    %reduce_sum3A_5 = arith.constant dense<0.000000e+00> : vector<1xf32>
    %reduce_sum3A_6 = vector.multi_reduction <add>, %reduce_sum3A, %reduce_sum3A_5 [1, 2] : vector<1x4608x128xf32> to vector<1xf32>
    %reduce_sum3A_7 = vector.shape_cast %reduce_sum3A_6 : vector<1xf32> to vector<1x1x1xf32>
    %reduce_sum3A_8 = vector.extract %reduce_sum3A_7[0, 0, 0] : f32 from vector<1x1x1xf32>
    %mul3A_9 = arith.constant 1.250000e+00 : f32
    %mul3A_10 = arith.mulf %mul3A_9, %reduce_sum3A_8 : f32
    %div3A = arith.constant 5.898240e+05 : f32
    %div3A_11 = arith.divf %mul3A_10, %div3A : f32
    %reshape3A = vector.broadcast %div3A_11 : f32 to vector<1x1xf32>
    %swap3A = arith.constant 0 : index
    %swap3A_12 = arith.constant 0 : index
    %swap3A_13 = vector.load %arg4[%swap3A, %swap3A_12] : memref<1x1xf32, #tpu.memory_space<vmem>>, vector<1x1xf32>
    tpu.vector_store %arg4[%swap3A, %swap3A_12], %reshape3A {strides = array<i32>} : memref<1x1xf32, #tpu.memory_space<vmem>>, vector<1x1xf32>,
    %get3A_14 = arith.constant 0 : index
    %get3A_15 = arith.constant 0 : index
    %get3A_16 = vector.load %arg3[%get3A_14, %get3A_15] : memref<2x8192xf32, #tpu.memory_space<vmem>>, vector<1x8192xf32>
    %get3A_17 = arith.constant 1 : index
    %get3A_18 = arith.constant 0 : index
    %get3A_19 = vector.load %arg3[%get3A_17, %get3A_18] : memref<2x8192xf32, #tpu.memory_space<vmem>>, vector<1x8192xf32>
    %add3A = arith.addf %get3A_16, %get3A_19 : vector<1x8192xf32>
    %div3A_20 = arith.constant 4.608000e+03 : f32
    %div3A_21 = vector.broadcast %div3A_20 : f32 to vector<1x8192xf32>
    %div3A_22 = arith.divf %add3A, %div3A_21 : vector<1x8192xf32>
    %add3A_23 = arith.constant 9.99999993E-9 : f32
    %add3A_24 = vector.broadcast %add3A_23 : f32 to vector<1x8192xf32>
    %add3A_25 = arith.addf %div3A_22, %add3A_24 : vector<1x8192xf32>
    %log3A = math.log %add3A_25 : vector<1x8192xf32>
    %mul3A_26 = arith.mulf %div3A_22, %log3A : vector<1x8192xf32>
    %reduce_sum3A_27 = vector.shape_cast %mul3A_26 : vector<1x8192xf32> to vector<1x1x8192xf32>
    %reduce_sum3A_28 = arith.constant dense<0.000000e+00> : vector<1xf32>
    %reduce_sum3A_29 = vector.multi_reduction <add>, %reduce_sum3A_27, %reduce_sum3A_28 [1, 2] : vector<1x1x8192xf32> to vector<1xf32>
    %reduce_sum3A_30 = vector.shape_cast %reduce_sum3A_29 : vector<1xf32> to vector<1x1x1xf32>
    %reduce_sum3A_31 = vector.extract %reduce_sum3A_30[0, 0, 0] : f32 from vector<1x1x1xf32>
    %neg3A = arith.constant 0.000000e+00 : f32
    %neg3A_32 = arith.subf %neg3A, %reduce_sum3A_31 : f32
    %exp3A = math.exp %neg3A_32 : f32
    %reshape3A_33 = vector.broadcast %exp3A : f32 to vector<1x1xf32>
    %swap3A_34 = arith.constant 0 : index
    %swap3A_35 = arith.constant 0 : index
    %swap3A_36 = vector.load %arg5[%swap3A_34, %swap3A_35] : memref<1x1xf32, #tpu.memory_space<vmem>>, vector<1x1xf32>
    tpu.vector_store %arg5[%swap3A_34, %swap3A_35], %reshape3A_33 {strides = array<i32>} : memref<1x1xf32, #tpu.memory_space<vmem>>, vector<1x1xf32>,
    return
  }
  func.func @transform_0(%arg0: i32) -> (i32, i32) {
    %c0_i32 = arith.constant 0 : i32
    %c0_i32_0 = arith.constant 0 : i32
    %c0_i32_1 = arith.constant 0 : i32
    return %c0_i32, %c0_i32_0 : i32, i32
  }
  func.func @transform_1(%arg0: i32) -> (i32, i32) {
    %c0_i32 = arith.constant 0 : i32
    %c0_i32_0 = arith.constant 0 : i32
    %c0_i32_1 = arith.constant 0 : i32
    return %c0_i32, %c0_i32_0 : i32, i32
  }
  func.func @transform_2(%arg0: i32) -> (i32, i32) {
    %c0_i32 = arith.constant 0 : i32
    %c0_i32_0 = arith.constant 0 : i32
    %c0_i32_1 = arith.constant 0 : i32
    return %c0_i32, %c0_i32_0 : i32, i32
  }
  func.func @transform_3(%arg0: i32) -> (i32, i32) {
    %c0_i32 = arith.constant 0 : i32
    %c0_i32_0 = arith.constant 0 : i32
    %c0_i32_1 = arith.constant 0 : i32
    return %c0_i32, %c0_i32_0 : i32, i32
  }
  func.func @transform_4(%arg0: i32) -> (i32, i32) {
    %c0_i32 = arith.constant 0 : i32
    %c0_i32_0 = arith.constant 0 : i32
    %c0_i32_1 = arith.constant 0 : i32
    return %c0_i32, %c0_i32_0 : i32, i32
  }
}

</mosaic_0001>

<sc_bundles>
// kernel: _cos_vq.5.cloned.1.call-start
scs
__scs_entry_jumppad:
0x0: {  	(pc) =	sbr.rel $0x88, $3  }
0x1: {  	(tag) =	ssettag $0x0;
	lr =	simm.s32 $0x1  }
0x2: {  	[smem:$0x3F9D] =	sst lr;
	_ =	strace $0xD0000000  }
0x3: {  	_ = 	snop  }
0x4: {  	_ = 	snop  }
0x5: {  	_ = 	snop  }
0x6: {  	_ = 	snop  }
0x7: {  	_ = 	snop  }
__scs_overlays_trampoline_lowered:
0x8: {  	[smem:$0x3FAC] =	sst s0  }
0x9: {  	[smem:$0x3FAD] =	sst s1  }
0xa: {  	[smem:$0x3FAE] =	sst s2  }
0xb: {  	[smem:$0x3FAF] =	sst s3  }
0xc: {  	[smem:$0x3FB0] =	sst s4  }
0xd: {  	[smem:$0x3FB1] =	sst s5  }
0xe: {  	[smem:$0x3FB2] =	sst s6  }
0xf: {  	[smem:$0x3FB3] =	sst s7  }
0x10: {  	[smem:$0x3FB4] =	sst s8  }
0x11: {  	[smem:$0x3FB5] =	sst s9;
	s0 =	simm.s32 @!p0 $0x0  }
0x12: {  	s1 =	sld [smem:$0x3F9B];
	s0 =	simm.s32 @p0 $0x1  }
0x13: {  	[smem:$0x3FB6] =	sst s0;
	s0 =	simm.s32 @!p1 $0x0  }
0x14: {  	s2 =	sld [smem:$0x3F9A];
	s0 =	simm.s32 @p1 $0x1  }
0x15: {  	[smem:$0x3FB7] =	sst s0;
	s0 =	simm.s32 @!p2 $0x0  }
0x16: {  	s3 =	sld [smem:$0x3FDB];
	s0 =	simm.s32 @p2 $0x1  }
0x17: {  	s4 =	simm.s32 $0x1BF5;
	[smem:$0x3FB9] =	sst s0  }
0x18: {  	s0 =	sld [smem:$0x3F9C];
	_ =	swait.ge [sflag:s4], $0x0  }
0x19: {  	s7 =	sld [smem:$0x3F9D]  }
0x1a: {  	s8 =	sadd.s32 $0xFFFFE003, lr  }
0x1b: {  	s9 =	sadd.s32 $0xFFFFFEF7, lr;
	s5 =	simm.s32 $0xFFFFFFFF;
	p2 =	slt.u32 s8, $0xFFFFF086  }
0x1c: {  	p1 =	slt.u32 s9, $0xF7A;
	s5 =	simm.s32 @!p2 $0x0  }
0x1d: {  	s5 =	simm.s32 @p1 $0x1;
	p0 =	seq.s32 s7, s2  }
0x1e: {  	s7 =	smul.u32 @!p0 $0xF7A, s2;
	p2 =	seq.s32 @!p0 s5, $0x0  }
0x1f: {  	s9 =	smul.u32 $0xF7A, s1;
	s8 =	simm.s32 @!p0 $0x1BF5;
	p2 =	por !p2, p0  }
0x20: {  	[sflag:s8] =	ssyncset.s32 @!p0 $0xFFFFF086;
	s6 =	sadd.s32 @!p0 s3, s7;
	s7 =	simm.s32 @!p0 $0x108  }
0x21: {  	s3 =	sadd.s32 s3, s9;
	s6 =	sadd.s32 @!p0 $0x88, s6;
	s7 =	simm.s32 @p2 $0x1082  }
0x22: {  	[simem:s7], [sflag:s8] =	dma.local @!p0 [hbm:s6], $0xF7A  }
0x23: {  	s9 =	sor.u32 $0xD0000000, s2;
	s6 =	simm.s32 $0x108;
	_ =	swait.ge @!p0 [sflag:s8], $0x0  }
0x24: {  	s3 =	sadd.s32 $0x88, s3;
	s6 =	simm.s32 @!p1 $0x1082;
	[sflag:s4] =	ssyncset.s32 $0xFFFFF086  }
0x25: {  	[simem:s6], [sflag:s4] =	dma.local [hbm:s3], $0xF7A  }
0x26: {  	[smem:$0x3F9D] =	sst s1;
	(tag) =	ssettag s2;
	_ =	strace s9  }
0x27: {  	s1 =	sld [smem:$0x3FAD]  }
0x28: {  	s2 =	sld [smem:$0x3FAE]  }
0x29: {  	s4 =	sld [smem:$0x3FB0]  }
0x2a: {  	p0 =	seq.s32 s5, $0x0;
	s5 =	sld [smem:$0x3FB1]  }
0x2b: {  	s6 =	sld [smem:$0x3FB2]  }
0x2c: {  	s7 =	sld [smem:$0x3FB3]  }
0x2d: {  	s3 =	simm.s32 $0x108;
	s8 =	sld [smem:$0x3FB4]  }
0x2e: {  	s3 =	simm.s32 @!p0 $0x1082;
	s9 =	sld [smem:$0x3FB5]  }
0x2f: {  	lr =	sadd.s32 s0, s3;
	s0 =	sld [smem:$0x3FAC]  }
0x30: {  	s3 =	sld [smem:$0x3FAF]  }
0x31: {  	[smem:$0x3FB8] =	sst s10  }
0x32: {  	s10 =	sld [smem:$0x3FB6];
	_ =	sdelay $0x3  }
0x33: {  	p0 =	seq.s32 s10, $0x1;
	s10 =	sld [smem:$0x3FB8];
	_ =	sdelay $0x3  }
0x34: {  	[smem:$0x3FB8] =	sst s10  }
0x35: {  	s10 =	sld [smem:$0x3FB7];
	_ =	sdelay $0x3  }
0x36: {  	p1 =	seq.s32 s10, $0x1;
	s10 =	sld [smem:$0x3FB8];
	_ =	sdelay $0x3  }
0x37: {  	[smem:$0x3FB8] =	sst s10  }
0x38: {  	s10 =	sld [smem:$0x3FB9]  }
0x39: {  	_ = 	snop;
	(pc) =	sbr.ind lr, $3  }
0x3a: {  	_ = 	snop  }
0x3b: {  	_ = 	snop  }
0x3c: {  	p2 =	seq.s32 s10, $0x1;
	s10 =	sld [smem:$0x3FB8]  }
0x3d: {  	_ =	shalt  }
0x3e: {  	_ =	shalt  }
0x3f: {  	_ =	shalt  }
0x40: {  	_ =	shalt  }
0x41: {  	_ =	shalt  }
0x42: {  	_ =	shalt  }
0x43: {  	_ =	shalt  }
0x44: {  	_ =	shalt  }
0x45: {  	_ =	shalt  }
0x46: {  	_ =	shalt  }
0x47: {  	_ =	shalt  }
0x48: {  	_ =	shalt  }
0x49: {  	_ =	shalt  }
0x4a: {  	_ =	shalt  }
0x4b: {  	_ =	shalt  }
0x4c: {  	_ =	shalt  }
0x4d: {  	_ =	shalt  }
0x4e: {  	_ =	shalt  }
0x4f: {  	_ =	shalt  }
0x50: {  	_ =	shalt  }
0x51: {  	_ =	shalt  }
0x52: {  	_ =	shalt  }
0x53: {  	_ =	shalt  }
0x54: {  	_ =	shalt  }
0x55: {  	_ =	shalt  }
0x56: {  	_ =	shalt  }
0x57: {  	_ =	shalt  }
0x58: {  	_ =	shalt  }
0x59: {  	_ =	shalt  }
0x5a: {  	_ =	shalt  }
0x5b: {  	_ =	shalt  }
0x5c: {  	_ =	shalt  }
0x5d: {  	_ =	shalt  }
0x5e: {  	_ =	shalt  }
0x5f: {  	_ =	shalt  }
0x60: {  	_ =	shalt  }
0x61: {  	_ =	shalt  }
0x62: {  	_ =	shalt  }
0x63: {  	_ =	shalt  }
0x64: {  	_ =	shalt  }
0x65: {  	_ =	shalt  }
0x66: {  	_ =	shalt  }
0x67: {  	_ =	shalt  }
0x68: {  	_ =	shalt  }
0x69: {  	_ =	shalt  }
0x6a: {  	_ =	shalt  }
0x6b: {  	_ =	shalt  }
0x6c: {  	_ =	shalt  }
0x6d: {  	_ =	shalt  }
0x6e: {  	_ =	shalt  }
0x6f: {  	_ =	shalt  }
0x70: {  	_ =	shalt  }
0x71: {  	_ =	shalt  }
0x72: {  	_ =	shalt  }
0x73: {  	_ =	shalt  }
0x74: {  	_ =	shalt  }
0x75: {  	_ =	shalt  }
0x76: {  	_ =	shalt  }
0x77: {  	_ =	shalt  }
0x78: {  	_ =	shalt  }
0x79: {  	_ =	shalt  }
0x7a: {  	_ =	shalt  }
0x7b: {  	_ =	shalt  }
0x7c: {  	_ =	shalt  }
0x7d: {  	_ =	shalt  }
0x7e: {  	_ =	shalt  }
0x7f: {  	_ =	shalt  }
0x80: {  	_ =	shalt  }
0x81: {  	_ =	shalt  }
0x82: {  	_ =	shalt  }
0x83: {  	_ =	shalt  }
0x84: {  	_ =	shalt  }
0x85: {  	_ =	shalt  }
0x86: {  	_ =	shalt  }
0x87: {  	_ =	shalt  }
.Lfunc_end0:
.L_simem_size_0:
called_computation_lowered:
.L_overlay_start_0:
0x88: {  	s2 =	sld [smem:$0x3FD9]  }
0x89: {  	s3 =	sld [smem:$0x3FFE];
	_ =	sdelay $0x1  }
0x8a: {  	s1 =	srdreg.scid  }
0x8b: {  	s0 =	sand.u32 $0x1, s1  }
0x8c: {  	s14 =	sshll.u32 s0, $0xA;
	s2 =	sadd.s32 s3, s2  }
0x8d: {  	s2 =	sadd.s32 s2, s14  }
0x8e: {  	[smem:$0x3FC4] =	sst s2  }
0x8f: {  	_ = 	snop  }
0x90: {  	s2 =	sld [smem:$0x3FD0];
	_ =	sdelay $0x2  }
0x91: {  	s4 =	simm.s32 $0xA;
	s5 =	simm.s32 $0x10;
	s15 =	sld [smem:$0x3FC7]  }
0x92: {  	[smem:s5], [sflag:s4] =	dma.local [hbm:s2], $0x1  }
0x93: {  	_ =	swait.eq [sflag:s4], $0x1  }
0x94: {  	[sflag:s4] =	ssyncset.done $0x0  }
0x95: {  	[sflag:s4] =	ssyncadd.s32 $0xFFFFFFFF  }
0x96: {  	s16 =	sld [smem:$0x10];
	(tm) =	ssettm $0x1  }
0x97: {  	s17 =	sld [smem:$0x3FFB];
	_ =	sdelay $0x3  }
0x98: {  	_ =	strace s17  }
0x99: {  	s4 =	sld [smem:$0x3FFC];
	_ =	sdelay $0x3  }
0x9a: {  	_ =	strace s4  }
0x9b: {  	s4 =	sld [smem:$0x3FFD];
	_ =	sdelay $0x3  }
0x9c: {  	_ =	strace s4  }
0x9d: {  	_ =	strace $0x8FFFFFFF  }
0x9e: {  	s18 =	sld [smem:$0x3FDB];
	_ =	sdelay $0x1  }
0x9f: {  	s19 =	simm.s32 $_scs_section_size  }
0xa0: {  	s6 =	simm.s32 $_size__tile_overlayer_lowered;
	s7 =	simm.s32 $_tile_overlayer_lowered  }
0xa1: {  	s22 =	simm.s32 $0x1BFF;
	s21 =	sshll.u32 s7, $0x1;
	s4 =	sadd.s32 s19, s18  }
0xa2: {  	s8 =	simm.s32 $0x0;
	s20 =	sshll.u32 s6, $0x1;
	s6 =	sadd.s32 s21, s4  }
0xa3: {  	[timem:s8], [sflag:s22] =	dma.local [hbm:s6], s20  }
0xa4: {  	_ =	swait.ge [sflag:s22], s20  }
0xa5: {  	s5 =	ssub.s32 $0x0, s20;
	[sflag:s22] =	ssyncset.done $0x0  }
0xa6: {  	[sflag:s22] =	ssyncadd.s32 s5;
	_ =	sdelay $0x1  }
0xa7: {  	s23 =	simm.s32 $0x1B8B  }
0xa8: {  	_ =	swait.ge [sflag:s23], $0x1  }
0xa9: {  	[sflag:s23] =	ssyncset.done $0x0  }
0xaa: {  	s25 =	simm.s32 $0x1B8E;
	s24 =	sld [smem:$0x3FFE];
	[sflag:s23] =	ssyncadd.s32 $0xFFFFFFFF  }
0xab: {  	s26 =	simm.s32 $execute0_lowered;
	[smem:$0x3FD2] =	sst s25  }
0xac: {  	s6 =	sshll.u32 s26, $0x1;
	_ =	strace $0x80000046;
	[dreg:$0x1] =	wrdreg $0xFFFFFFFF  }
0xad: {  	s28 =	simm.s32 $_size_execute0_lowered;
	s4 =	sadd.s32 s4, s6;
	[dreg:$0x0] =	wrdreg $0x0  }
0xae: {  	s6 =	sshll.u32 s28, $0x1;
	[dreg:$0x2] =	wrdreg s4  }
0xaf: {  	[dreg:$0x3] =	wrdreg s6  }
0xb0: {  	[dreg:$0x4] =	wrdreg $0xC0  }
0xb1: {  	_ =	task [dreg:s8], $0x5FFFF  }
0xb2: {  	[dreg:$0x1] =	wrdreg $0xFFFFFFFF  }
0xb3: {  	[dreg:$0x0] =	wrdreg $0x60  }
0xb4: {  	[dreg:$0x2] =	wrdreg s15  }
0xb5: {  	[dreg:$0x3] =	wrdreg s24  }
0xb6: {  	[dreg:$0x4] =	wrdreg s16  }
0xb7: {  	[dreg:$0x5] =	wrdreg $0x6A000  }
0xb8: {  	[dreg:$0x6] =	wrdreg $0x9  }
0xb9: {  	_ =	task.clear_ibuf [dreg:s8], $0x7FFFF;
	_ =	strace $0x90000046  }
0xba: {  	s29 =	simm.s32 $0x9;
	_ =	strace $0x80000048  }
0xbb: {  	_ =	swait.ge [sflag:s29], $0x1  }
0xbc: {  	[sflag:s29] =	ssyncadd.s32 $0xFFFFFFFF  }
0xbd: {  	_ =	strace $0x90000048  }
0xbe: {  	_ =	sfence  }
0xbf: {  	s30 =	sld [smem:$0x0];
	_ =	sdelay $0x2  }
0xc0: {  	s31 =	sshll.u32 s1, $0xD;
	s1 =	sshrl.u32 s1, $0x2  }
0xc1: {  	s3 =	sand.u32 $0x4000, s31;
	s1 =	sadd.s32 s1, s30  }
0xc2: {  	s0 =	sor.u32 s3, s0;
	s1 =	sshll.u32 s1, $0x11  }
0xc3: {  	s0 =	sor.u32 s1, s0  }
0xc4: {  	s0 =	sadd.s32 $0x8F2B, s0  }
0xc5: {  	[sflag:s0] =	ssyncadd.remote.s32 $0x1  }
0xc6: {  	_ =	sfence.sel $0xFFFF  }
0xc7: {  	[dreg:$0x0] =	wrdreg $0xFFFFFFFF;
	(pc) =	sbr.abs _section_cstart, $3  }
0xc8: {  	[dreg:$0x1] =	wrdreg $0xFFFFFFFF  }
0xc9: {  	_ =	task.clear_ibuf [dreg:s8], $0x2FFFF;
	_ =	strace $0x9FFFFFFF  }
0xca: {  	(tm) =	ssettm $0x7FFFFFFF  }
0xcb: {  	_ =	shalt  }
tec
execute0_lowered:
.L_overlay_start_1:
0x0: {  	(tag) =	ssettag $0x1  }
0x1: {  	s3 =	rddreg [dreg:$0x0]  }
0x2: {  	s0 =	srdreg.scid;
	s4 =	rddreg [dreg:$0x1]  }
0x3: {  	s7 =	rddreg [dreg:$0x2];
	s5 =	sand.u32 $0x1, s0  }
0x4: {  	s8 =	stileid.u32;
	s9 =	sshll.u32 s5, $0x4;
	s5 =	ssub.s32 $0x2, s5  }
0x5: {  	s1 =	rddreg [dreg:$0x3];
	s2 =	simm.s32 $0x0;
	s11 =	sshrl.u32 s5, $0x1  }
0x6: {  	p1 =	por $0x0, $0x0;
	s0 =	rddreg [dreg:$0x4];
	s5 =	ssub.s32 s5, s11  }
0x7: {  	[smem:$0x7FF] =	sst s2;
	s6 =	sor.u32 s8, s9;
	s5 =	smax.u32 s5, $0x1  }
0x8: {  	s14 =	sadd.s32 $0x1600, s4;
	s10 =	smul.u32 $0x12, s6;
	s17 =	sadd.s32 $0xFFFFFFFF, s5  }
0x9: {  	p0 =	sne.s32 s8, $0x0;
	s13 =	smul.u32 $0x900, s6;
	p2 =	sne.s32 s17, $0x0  }
.Ltmp0:
0xa: {  	_ =	strace $0x80000047;
	s15 =	simm.s32 @!p0 $0x0;
	(pc) =	sbr.rel @!p2 .LBB2_1-.Ltmp0, $4  }
0xb: {  	s8 =	simm.s32 $0x90;
	s6 =	sadd.s32 $0x1A00, s4;
	s11 =	simm.s32 $0x100  }
0xc: {  	s10 =	sadd.s32 s10, s4;
	s4 =	sadd.s32 s9, s4;
	s9 =	sadd.s32 s7, s13  }
0xd: {  	s7 =	simm.s32 $0x2;
	s13 =	simm.s32 $0x1;
	s5 =	simm.s32 @!p0 $0x2  }
0xe: {  	s12 =	sadd.s32 $0x1200, s10;
	s4 =	sadd.s32 $0x1C00, s4;
	s10 =	simm.s32 $0x4900  }
0xf: {  	s16 =	simm.s32 @!p0 $0x4A00  }
0x10: {  	[tilespmem:s16], [sflag:$0x2] =	stream.linear.gather @!p0 [hbm4b:s14+s15], $0x2000, $0x38;
	[tilespmem:$0x6C00] =	vst v63  }
0x11: {  	_ =	swait.ge @!p0 [sflag:s5], $0x2000  }
0x12: {  	[sflag:s5] =	ssyncset.done @!p0 $0x0  }
0x13: {  	[sflag:s5] =	ssyncadd.s32 @!p0 $0xFFFFE000  }
0x14: {  	[spmem:s1] =	stream.linear.scatter @!p0 [tilespmem:s16], [sflag:$0x2], $0x2000, $0x38;
	[tilespmem:$0x6C00] =	vst v63  }
0x15: {  	_ =	swait.ge @!p0 [sflag:s5], $0x2000  }
0x16: {  	[sflag:s5] =	ssyncset.done @!p0 $0x0  }
0x17: {  	[sflag:s5] =	ssyncadd.s32 @!p0 $0xFFFFE000  }
0x18: {  	[bflag:$0x0] =	sbarrier.arrive $0xFFFF  }
0x19: {  	[tilespmem:s2], [sflag:$0x2] =	stream.linear.gather [hbm4b:s12+s2], $0x90, $0x38;
	[tilespmem:$0x6C00] =	vst v63  }
0x1a: {  	_ =	swait.ge [sflag:s7], $0x90  }
0x1b: {  	[sflag:s7] =	ssyncset.done $0x0  }
0x1c: {  	[sflag:s7] =	ssyncadd.s32 $0xFFFFFF70  }
0x1d: {  	[tilespmem:s11], [sflag:$0x1] =	stream.indirect.gather [hbm4b:s3+s8], $0x80, s2, s8, $0xb8;
	[tilespmem:$0x6C00] =	vst v63  }
0x1e: {  	_ =	swait.ge [sflag:s13], $0x4800  }
0x1f: {  	[sflag:s13] =	ssyncset.done $0x0  }
0x20: {  	[sflag:s13] =	ssyncadd.s32 $0xFFFFB800  }
0x21: {  	[hbm4b:s9+s2] =	stream.linear.scatter [tilespmem:s11], [sflag:$0x2], $0x4800, $0x38;
	[tilespmem:$0x6C00] =	vst v63  }
0x22: {  	_ =	swait.ge [sflag:s7], $0x4800  }
0x23: {  	[sflag:s7] =	ssyncset.done $0x0  }
0x24: {  	[sflag:s7] =	ssyncadd.s32 $0xFFFFB800  }
0x25: {  	[tilespmem:s10], [sflag:$0x2] =	stream.linear.gather [hbm4b:s6+s2], $0x100, $0x38;
	[tilespmem:$0x6C00] =	vst v63  }
0x26: {  	_ =	swait.ge [sflag:s7], $0x100  }
0x27: {  	[sflag:s7] =	ssyncset.done $0x0  }
0x28: {  	[sflag:s7] =	ssyncadd.s32 $0xFFFFFF00  }
0x29: {  	[spmem:s1] =	stream.indirect.scatter.add.f32 [tilespmem:s10], [sflag:$0x2], $0x1, s2, s8, $0xb8;
	[tilespmem:$0x6C00] =	vst v63  }
0x2a: {  	_ =	swait.ge [sflag:s7], $0x90  }
0x2b: {  	[sflag:s7] =	ssyncset.done $0x0  }
0x2c: {  	[sflag:s7] =	ssyncadd.s32 $0xFFFFFF70  }
0x2d: {  	s17 =	sadd.s32 $0xFFFFFFFF, s17;
	[bflag:$0x0] =	sbarrier.arrive $0xFFFF  }
0x2e: {  	[tilespmem:s16], [sflag:$0x2] =	stream.linear.gather @!p0 [spmem:s1], $0x2000, $0x38;
	[tilespmem:$0x6C00] =	vst v63  }
0x2f: {  	p2 =	sne.s32 s17, $0x0;
	_ =	swait.ge @!p0 [sflag:s5], $0x2000  }
.Ltmp1:
0x30: {  	[sflag:s5] =	ssyncset.done @!p0 $0x0;
	(pc) =	sbr.rel @!p2 .LBB2_3-.Ltmp1, $4  }
0x31: {  	s18 =	simm.s32 @!p0 $0x80;
	s19 =	simm.s32 @!p0 $0x100;
	[sflag:s5] =	ssyncadd.s32 @!p0 $0xFFFFE000  }
0x32: {  	[hbm4b:s4+s18] =	stream.strided.scatter @!p0 [tilespmem:s16], [sflag:$0x2], $0x2000, s19, s18, $0x38;
	[tilespmem:$0x6C00] =	vst v63  }
0x33: {  	_ =	swait.ge @!p0 [sflag:s5], $0x2000  }
0x34: {  	p1 =	por $0x1, $0x1;
	s20 =	simm.s32 @!p0 $0x2;
	[sflag:s5] =	ssyncset.done @!p0 $0x0  }
.LBB2_4:
0x35: {  	s21 =	simm.s32 @!p0 $0x0;
	[sflag:s20] =	ssyncadd.s32 @!p0 $0xFFFFE000  }
0x36: {  	[tilespmem:s16], [sflag:$0x2] =	stream.linear.gather @!p0 [hbm4b:s14+s15], $0x2000, $0x38;
	[tilespmem:$0x6C00] =	vst v63  }
0x37: {  	s17 =	sadd.s32 $0xFFFFFFFF, s17;
	s15 =	smov.u32 s21;
	_ =	swait.ge @!p0 [sflag:s5], $0x2000  }
0x38: {  	s20 =	smov.u32 s5;
	p2 =	sne.s32 s17, $0x0;
	[sflag:s5] =	ssyncset.done @!p0 $0x0  }
0x39: {  	[sflag:s20] =	ssyncadd.s32 @!p0 $0xFFFFE000  }
0x3a: {  	[spmem:s1] =	stream.linear.scatter @!p0 [tilespmem:s16], [sflag:$0x2], $0x2000, $0x38;
	[tilespmem:$0x6C00] =	vst v63  }
0x3b: {  	_ =	swait.ge @!p0 [sflag:s20], $0x2000  }
0x3c: {  	[sflag:s20] =	ssyncset.done @!p0 $0x0  }
0x3d: {  	[sflag:s20] =	ssyncadd.s32 @!p0 $0xFFFFE000  }
0x3e: {  	[bflag:$0x0] =	sbarrier.arrive $0xFFFF  }
0x3f: {  	[tilespmem:s2], [sflag:$0x2] =	stream.linear.gather [hbm4b:s12+s2], $0x90, $0x38;
	[tilespmem:$0x6C00] =	vst v63  }
0x40: {  	_ =	swait.ge [sflag:s7], $0x90  }
0x41: {  	[sflag:s7] =	ssyncset.done $0x0  }
0x42: {  	[sflag:s7] =	ssyncadd.s32 $0xFFFFFF70  }
0x43: {  	[tilespmem:s11], [sflag:$0x1] =	stream.indirect.gather [hbm4b:s3+s8], $0x80, s2, s8, $0xb8;
	[tilespmem:$0x6C00] =	vst v63  }
0x44: {  	_ =	swait.ge [sflag:s13], $0x4800  }
0x45: {  	[sflag:s13] =	ssyncset.done $0x0  }
0x46: {  	[sflag:s13] =	ssyncadd.s32 $0xFFFFB800  }
0x47: {  	[hbm4b:s9+s2] =	stream.linear.scatter [tilespmem:s11], [sflag:$0x2], $0x4800, $0x38;
	[tilespmem:$0x6C00] =	vst v63  }
0x48: {  	_ =	swait.ge [sflag:s7], $0x4800  }
0x49: {  	[sflag:s7] =	ssyncset.done $0x0  }
0x4a: {  	[sflag:s7] =	ssyncadd.s32 $0xFFFFB800  }
0x4b: {  	[tilespmem:s10], [sflag:$0x2] =	stream.linear.gather [hbm4b:s6+s2], $0x100, $0x38;
	[tilespmem:$0x6C00] =	vst v63  }
0x4c: {  	_ =	swait.ge [sflag:s7], $0x100  }
0x4d: {  	[sflag:s7] =	ssyncset.done $0x0  }
0x4e: {  	[sflag:s7] =	ssyncadd.s32 $0xFFFFFF00  }
0x4f: {  	[spmem:s1] =	stream.indirect.scatter.add.f32 [tilespmem:s10], [sflag:$0x2], $0x1, s2, s8, $0xb8;
	[tilespmem:$0x6C00] =	vst v63  }
0x50: {  	_ =	swait.ge [sflag:s7], $0x90  }
0x51: {  	[sflag:s7] =	ssyncset.done $0x0  }
0x52: {  	[sflag:s7] =	ssyncadd.s32 $0xFFFFFF70  }
0x53: {  	[bflag:$0x0] =	sbarrier.arrive $0xFFFF  }
0x54: {  	[tilespmem:s16], [sflag:$0x2] =	stream.linear.gather @!p0 [spmem:s1], $0x2000, $0x38;
	[tilespmem:$0x6C00] =	vst v63  }
0x55: {  	_ =	swait.ge @!p0 [sflag:s20], $0x2000  }
.Ltmp2:
0x56: {  	[sflag:s20] =	ssyncset.done @!p0 $0x0;
	(pc) =	sbr.rel @p2 .LBB2_4-.Ltmp2, $4  }
0x57: {  	[sflag:s20] =	ssyncadd.s32 @!p0 $0xFFFFE000  }
0x58: {  	[hbm4b:s4+s18] =	stream.strided.scatter @!p0 [tilespmem:s16], [sflag:$0x2], $0x2000, s19, s18, $0x38;
	[tilespmem:$0x6C00] =	vst v63  }
0x59: {  	_ =	swait.ge @!p0 [sflag:s20], $0x2000  }
0x5a: {  	[sflag:s20] =	ssyncset.done @!p0 $0x0  }
.LBB2_5:
0x5b: {  	p1 =	por p0, !p1  }
0x5c: {  	s16 =	simm.s32 @!p0 $0x4A00;
	[sflag:s20] =	ssyncadd.s32 @!p1 $0xFFFFE000  }
0x5d: {  	[tilespmem:s16], [sflag:$0x2] =	stream.linear.gather @!p0 [hbm4b:s14+s15], $0x2000, $0x38;
	[tilespmem:$0x6C00] =	vst v63  }
0x5e: {  	_ =	swait.ge @!p0 [sflag:s5], $0x2000  }
0x5f: {  	[sflag:s5] =	ssyncset.done @!p0 $0x0  }
0x60: {  	[sflag:s5] =	ssyncadd.s32 @!p0 $0xFFFFE000  }
0x61: {  	[spmem:s1] =	stream.linear.scatter @!p0 [tilespmem:s16], [sflag:$0x2], $0x2000, $0x38;
	[tilespmem:$0x6C00] =	vst v63  }
0x62: {  	_ =	swait.ge @!p0 [sflag:s5], $0x2000  }
0x63: {  	[sflag:s5] =	ssyncset.done @!p0 $0x0  }
0x64: {  	[sflag:s5] =	ssyncadd.s32 @!p0 $0xFFFFE000  }
0x65: {  	[bflag:$0x0] =	sbarrier.arrive $0xFFFF  }
0x66: {  	[tilespmem:s2], [sflag:$0x2] =	stream.linear.gather [hbm4b:s12+s2], $0x90, $0x38;
	[tilespmem:$0x6C00] =	vst v63  }
0x67: {  	_ =	swait.ge [sflag:s7], $0x90  }
0x68: {  	[sflag:s7] =	ssyncset.done $0x0  }
0x69: {  	[sflag:s7] =	ssyncadd.s32 $0xFFFFFF70  }
0x6a: {  	[tilespmem:s11], [sflag:$0x1] =	stream.indirect.gather [hbm4b:s3+s8], $0x80, s2, s8, $0xb8;
	[tilespmem:$0x6C00] =	vst v63  }
0x6b: {  	_ =	swait.ge [sflag:s13], $0x4800  }
0x6c: {  	[sflag:s13] =	ssyncset.done $0x0  }
0x6d: {  	[sflag:s13] =	ssyncadd.s32 $0xFFFFB800  }
0x6e: {  	[hbm4b:s9+s2] =	stream.linear.scatter [tilespmem:s11], [sflag:$0x2], $0x4800, $0x38;
	[tilespmem:$0x6C00] =	vst v63  }
0x6f: {  	_ =	swait.ge [sflag:s7], $0x4800  }
0x70: {  	[sflag:s7] =	ssyncset.done $0x0  }
0x71: {  	[sflag:s7] =	ssyncadd.s32 $0xFFFFB800  }
0x72: {  	[tilespmem:s10], [sflag:$0x2] =	stream.linear.gather [hbm4b:s6+s2], $0x100, $0x38;
	[tilespmem:$0x6C00] =	vst v63  }
0x73: {  	_ =	swait.ge [sflag:s7], $0x100  }
0x74: {  	[sflag:s7] =	ssyncset.done $0x0  }
0x75: {  	[sflag:s7] =	ssyncadd.s32 $0xFFFFFF00  }
0x76: {  	[spmem:s1] =	stream.indirect.scatter.add.f32 [tilespmem:s10], [sflag:$0x2], $0x1, s2, s8, $0xb8;
	[tilespmem:$0x6C00] =	vst v63  }
0x77: {  	_ =	swait.ge [sflag:s7], $0x90  }
0x78: {  	[sflag:s7] =	ssyncset.done $0x0  }
0x79: {  	[sflag:s7] =	ssyncadd.s32 $0xFFFFFF70  }
0x7a: {  	[bflag:$0x0] =	sbarrier.arrive $0xFFFF  }
0x7b: {  	[tilespmem:s16], [sflag:$0x2] =	stream.linear.gather @!p0 [spmem:s1], $0x2000, $0x38;
	[tilespmem:$0x6C00] =	vst v63  }
0x7c: {  	_ =	swait.ge @!p0 [sflag:s5], $0x2000  }
0x7d: {  	[sflag:s5] =	ssyncset.done @!p0 $0x0  }
0x7e: {  	s2 =	simm.s32 @!p0 $0x100;
	s1 =	simm.s32 @!p0 $0x80;
	[sflag:s5] =	ssyncadd.s32 @!p0 $0xFFFFE000  }
0x7f: {  	[hbm4b:s4+s1] =	stream.strided.scatter @!p0 [tilespmem:s16], [sflag:$0x2], $0x2000, s2, s1, $0x38;
	[tilespmem:$0x6C00] =	vst v63  }
0x80: {  	_ =	swait.ge @!p0 [sflag:s5], $0x2000  }
0x81: {  	[sflag:s5] =	ssyncset.done @!p0 $0x0  }
0x82: {  	[sflag:s5] =	ssyncadd.s32 @!p0 $0xFFFFE000  }
0x83: {  	_ =	sfence.sel $0x180000  }
0x84: {  	[bflag:$0x0] =	sbarrier.arrive $0xFFFF  }
0x85: {  	_ =	strace $0x90000047  }
0x86: {  	s0 =	sadd.s32 @!p0 $0x100000, s0;
	[bflag:$0x2] =	sbarrier.arrive $0xFFFF  }
0x87: {  	[sflag:s0] =	ssyncadd.tile.s32 @!p0 $0x1;
	_ =	shalt  }
.LBB2_1:
.Ltmp3:
0x88: {  	(pc) =	sbr.rel .LBB2_5-.Ltmp3, $2  }
0x89: {  	_ =	sdelay $0x2  }
0x8a: {  	_ = 	snop  }
.LBB2_3:
.Ltmp4:
0x8b: {  	(pc) =	sbr.rel .LBB2_5-.Ltmp4, $2  }
0x8c: {  	_ =	sdelay $0x2  }
0x8d: {  	s20 =	simm.s32 @!p0 $0x2  }
.Lfunc_end2:
_tile_overlayer_lowered:
.L_overlay_start_2:
0x8e: {  	(tag) =	ssettag $0x2  }
0x8f: {  	s0 =	rddreg [dreg:$0x0];
	s2 =	stileid.u32  }
0x90: {  	s1 =	rddreg [dreg:$0x1];
	p0 =	sne.s32 s2, $0x0  }
0x91: {  	s3 =	rddreg [dreg:$0x2];
	[bflag:$0x3] =	sbarrier.arrive $0xFFFF;
	s2 =	simm.s32 @!p0 $0x1C02  }
0x92: {  	[timem:s3], [sflag:s2] =	dma.local @!p0 [hbm:s0], s1  }
0x93: {  	s0 =	simm.s32 @!p0 $0x2  }
0x94: {  	_ =	swait.ge @!p0 [sflag:s0], s1  }
0x95: {  	s1 =	ssub.s32 @!p0 $0x0, s1;
	[sflag:s0] =	ssyncset.done @!p0 $0x0  }
0x96: {  	[sflag:s0] =	ssyncadd.s32 @!p0 s1  }
0x97: {  	[bflag:$0x3] =	sbarrier.arrive $0xFFFF  }
0x98: {  	_ =	shalt  }

</sc_bundles>
